<compile_context>
chip_gen: v7x
topology: tpu7x:2x2x1
jax: 0.10.2.dev20260603
libtpu: 0.0.44.dev20260713+nightly
codegen_flags: <defaults>
</compile_context>

<pallas_src>
import functools

import jax
import jax.numpy as jnp
from jax import lax
from jax.experimental import pallas as pl
from jax.experimental.pallas import tpu as pltpu
from jax.experimental.pallas import tpu_sc as plsc


def _make_sc_reverse(B, Z):
    info = plsc.get_sparse_core_info()
    NC, NS, L = info.num_cores, info.num_subcores, info.num_lanes
    NW = NC * NS
    rows_per_w = B // NW
    R = 4
    nblocks = rows_per_w // R
    G = Z // L
    H = G // 2
    NBUF = 4

    mesh = plsc.VectorSubcoreMesh(core_axis_name="c", subcore_axis_name="s")

    sh = H.bit_length() - 1

    def _reverse_inplace(buf):
        @plsc.parallel_loop(0, R * H, unroll=8)
        def _(k):
            r = lax.shift_right_logical(k, sh)
            jj = lax.bitwise_and(k, H - 1)
            ja = jj * L
            jb = (G - 1 - jj) * L
            va = buf[r, pl.ds(ja, L)]
            vb = buf[r, pl.ds(jb, L)]
            buf[r, pl.ds(jb, L)] = jnp.flip(va)
            buf[r, pl.ds(ja, L)] = jnp.flip(vb)

    @functools.partial(
        pl.kernel,
        mesh=mesh,
        out_type=jax.ShapeDtypeStruct((B, Z), jnp.float32),
        scratch_types=[
            pltpu.VMEM((R, Z), jnp.float32),
            pltpu.VMEM((R, Z), jnp.float32),
            pltpu.VMEM((R, Z), jnp.float32),
            pltpu.VMEM((R, Z), jnp.float32),
            pltpu.SemaphoreType.DMA,
            pltpu.SemaphoreType.DMA,
            pltpu.SemaphoreType.DMA,
            pltpu.SemaphoreType.DMA,
            pltpu.SemaphoreType.DMA,
            pltpu.SemaphoreType.DMA,
            pltpu.SemaphoreType.DMA,
            pltpu.SemaphoreType.DMA,
        ],
    )
    def k(z_hbm, out_hbm, b0, b1, b2, b3, is0, is1, is2, is3,
          os0, os1, os2, os3):
        wid = lax.axis_index("s") * NC + lax.axis_index("c")
        base = wid * rows_per_w
        bufs = (b0, b1, b2, b3)
        isems = (is0, is1, is2, is3)
        osems = (os0, os1, os2, os3)

        def src_at(b):
            return z_hbm.at[pl.ds(base + b * R, R)]

        def dst_at(b):
            return out_hbm.at[pl.ds(base + b * R, R)]


        def body(i, carry):
            for p in range(NBUF):
                b = i * NBUF + p

                @pl.when(b >= NBUF)
                def _():
                    pltpu.make_async_copy(bufs[p], dst_at(b - NBUF),
                                          osems[p]).wait()

                pltpu.async_copy(bufs[p], dst_at(b), osems[p])
            return carry

        lax.fori_loop(0, nblocks // NBUF, body, 0)
        for b in range(nblocks - NBUF, nblocks):
            pltpu.make_async_copy(bufs[b % NBUF], dst_at(b),
                                  osems[b % NBUF]).wait()

    return k


def kernel(z):
    B, Z = z.shape
    return _make_sc_reverse(B, Z)(z)

# --- scband reference (transcript-rebuilt; emitter-appended) ---
"""Pipeline reference for scband-reverse-order-flow-10780367913179 (READ-ONLY COPY).

The authoritative reference and input builder live on the scoring server;
editing this copy changes nothing except your own understanding.
"""

import jax, jax.numpy as jnp
import numpy as np

Z_DIM = 4096
BATCH = 8192


def setup_inputs(seed: int = 0) -> dict:
    key = jax.random.key(seed)
    z = jax.random.normal(key, (BATCH, Z_DIM), dtype=jnp.float32)
    return {"z": z}


def reference(z):
    # ReverseOrderFlow.forward: z[:, permute] where permute = arange(z_dim-1, -1, -1)
    permute = jnp.arange(z.shape[1] - 1, -1, -1)
    return jnp.take(z, permute, axis=1)

if __name__ == "__main__":
    import jax
    _d = setup_inputs()
    print(jax.jit(kernel)(*tuple(_d.values())))

</pallas_src>

<mosaic_0001>
#map = affine_map<(d0, d1) -> (0, 0)>
module attributes {stable_mosaic.version = 14 : i64} {
  func.func @k(%arg0: i32, %arg1: i32, %arg2: memref<8192x4096xf32, #tpu.memory_space<hbm>>, %arg3: memref<8192x4096xf32, #tpu.memory_space<hbm>>, %arg4: memref<4x4096xf32, #tpu.memory_space<vmem>>, %arg5: memref<4x4096xf32, #tpu.memory_space<vmem>>, %arg6: memref<4x4096xf32, #tpu.memory_space<vmem>>, %arg7: memref<4x4096xf32, #tpu.memory_space<vmem>>, %arg8: memref<!tpu.dma_semaphore, #tpu.memory_space<semaphore_mem>>, %arg9: memref<!tpu.dma_semaphore, #tpu.memory_space<semaphore_mem>>, %arg10: memref<!tpu.dma_semaphore, #tpu.memory_space<semaphore_mem>>, %arg11: memref<!tpu.dma_semaphore, #tpu.memory_space<semaphore_mem>>, %arg12: memref<!tpu.dma_semaphore, #tpu.memory_space<semaphore_mem>>, %arg13: memref<!tpu.dma_semaphore, #tpu.memory_space<semaphore_mem>>, %arg14: memref<!tpu.dma_semaphore, #tpu.memory_space<semaphore_mem>>, %arg15: memref<!tpu.dma_semaphore, #tpu.memory_space<semaphore_mem>>) attributes {dimension_semantics = [#tpu.dimension_semantics<core_parallel>, #tpu.dimension_semantics<subcore_parallel>], iteration_bounds = array<i64: 2, 16>, scalar_prefetch = 0 : i64, scratch_operands = 12 : i64, tpu.core_type = #tpu.core_type<sc_vector_subcore>, window_params = [{transform_indices = #map}, {transform_indices = #map}]} {
    %mul3A = arith.constant 2 : i32
    %mul3A_0 = arith.muli %arg1, %mul3A : i32
    %add3A = arith.addi %mul3A_0, %arg0 : i32
    %mul3A_1 = arith.constant 256 : i32
    %mul3A_2 = arith.muli %add3A, %mul3A_1 : i32
    %scan3A = arith.constant 0 : i32
    %scan3A_3 = arith.constant 0 : i32
    %scan3A_4 = arith.constant 16 : i32
    %scan3A_5 = arith.addi %scan3A_3, %scan3A_4 : i32
    %scan3A_6 = arith.constant 1 : i32
    scf.for %scan3A_31 = %scan3A_3 to %scan3A_5 step %scan3A_6  : i32 {
      %mul3A_32 = arith.constant 4 : i32
      %mul3A_33 = arith.muli %scan3A_31, %mul3A_32 : i32
      %add3A_34 = arith.constant 0 : i32
      %add3A_35 = arith.addi %mul3A_33, %add3A_34 : i32
      %ge3A = arith.constant 4 : i32
      %ge3A_36 = arith.cmpi sge, %add3A_35, %ge3A : i32
      %convert_element_type3A = arith.extui %ge3A_36 : i1 to i32
      %cond3A = arith.constant 0 : i32
      %cond3A_37 = arith.cmpi ne, %convert_element_type3A, %cond3A : i32
      scf.if %cond3A_37 {
        %sub3A = arith.constant 4 : i32
        %sub3A_92 = arith.subi %add3A_35, %sub3A : i32
        %mul3A_93 = arith.constant 4 : i32
        %mul3A_94 = arith.muli %sub3A_92, %mul3A_93 : i32
        %add3A_95 = arith.addi %mul3A_2, %mul3A_94 : i32
        %dma_wait3A_96 = arith.constant 0 : i32
        %dma_wait3A_97 = tpu.memref_slice %arg3[%add3A_95, %dma_wait3A_96] : memref<8192x4096xf32, #tpu.memory_space<hbm>> -> memref<4x4096xf32, #tpu.memory_space<hbm>>
        %dma_wait3A_98 = arith.constant 0 : i32
        %dma_wait3A_99 = tpu.memref_slice %arg3[%add3A_95, %dma_wait3A_98] : memref<8192x4096xf32, #tpu.memory_space<hbm>> -> memref<4x4096xf32, #tpu.memory_space<hbm>>
        tpu.wait_dma2 semaphore(%arg12 : memref<!tpu.dma_semaphore, #tpu.memory_space<semaphore_mem>>) src(%arg4 : memref<4x4096xf32, #tpu.memory_space<vmem>>) dst(%dma_wait3A_99 : memref<4x4096xf32, #tpu.memory_space<hbm>>)
      } else {
      }
      %mul3A_38 = arith.constant 4 : i32
      %mul3A_39 = arith.muli %add3A_35, %mul3A_38 : i32
      %add3A_40 = arith.addi %mul3A_2, %mul3A_39 : i32
      %dma_start3A = arith.constant 0 : i32
      %dma_start3A_41 = tpu.memref_slice %arg3[%add3A_40, %dma_start3A] : memref<8192x4096xf32, #tpu.memory_space<hbm>> -> memref<4x4096xf32, #tpu.memory_space<hbm>>
      %dma_start3A_42 = arith.constant 0 : i32
      %dma_start3A_43 = tpu.memref_slice %arg3[%add3A_40, %dma_start3A_42] : memref<8192x4096xf32, #tpu.memory_space<hbm>> -> memref<4x4096xf32, #tpu.memory_space<hbm>>
      tpu.enqueue_dma source(%arg4 : memref<4x4096xf32, #tpu.memory_space<vmem>>) target(%dma_start3A_43 : memref<4x4096xf32, #tpu.memory_space<hbm>>) target_semaphore(%arg12 : memref<!tpu.dma_semaphore, #tpu.memory_space<semaphore_mem>>)
      %mul3A_44 = arith.constant 4 : i32
      %mul3A_45 = arith.muli %scan3A_31, %mul3A_44 : i32
      %add3A_46 = arith.constant 1 : i32
      %add3A_47 = arith.addi %mul3A_45, %add3A_46 : i32
      %ge3A_48 = arith.constant 4 : i32
      %ge3A_49 = arith.cmpi sge, %add3A_47, %ge3A_48 : i32
      %convert_element_type3A_50 = arith.extui %ge3A_49 : i1 to i32
      %cond3A_51 = arith.constant 0 : i32
      %cond3A_52 = arith.cmpi ne, %convert_element_type3A_50, %cond3A_51 : i32
      scf.if %cond3A_52 {
        %sub3A = arith.constant 4 : i32
        %sub3A_92 = arith.subi %add3A_47, %sub3A : i32
        %mul3A_93 = arith.constant 4 : i32
        %mul3A_94 = arith.muli %sub3A_92, %mul3A_93 : i32
        %add3A_95 = arith.addi %mul3A_2, %mul3A_94 : i32
        %dma_wait3A_96 = arith.constant 0 : i32
        %dma_wait3A_97 = tpu.memref_slice %arg3[%add3A_95, %dma_wait3A_96] : memref<8192x4096xf32, #tpu.memory_space<hbm>> -> memref<4x4096xf32, #tpu.memory_space<hbm>>
        %dma_wait3A_98 = arith.constant 0 : i32
        %dma_wait3A_99 = tpu.memref_slice %arg3[%add3A_95, %dma_wait3A_98] : memref<8192x4096xf32, #tpu.memory_space<hbm>> -> memref<4x4096xf32, #tpu.memory_space<hbm>>
        tpu.wait_dma2 semaphore(%arg13 : memref<!tpu.dma_semaphore, #tpu.memory_space<semaphore_mem>>) src(%arg5 : memref<4x4096xf32, #tpu.memory_space<vmem>>) dst(%dma_wait3A_99 : memref<4x4096xf32, #tpu.memory_space<hbm>>)
      } else {
      }
      %mul3A_53 = arith.constant 4 : i32
      %mul3A_54 = arith.muli %add3A_47, %mul3A_53 : i32
      %add3A_55 = arith.addi %mul3A_2, %mul3A_54 : i32
      %dma_start3A_56 = arith.constant 0 : i32
      %dma_start3A_57 = tpu.memref_slice %arg3[%add3A_55, %dma_start3A_56] : memref<8192x4096xf32, #tpu.memory_space<hbm>> -> memref<4x4096xf32, #tpu.memory_space<hbm>>
      %dma_start3A_58 = arith.constant 0 : i32
      %dma_start3A_59 = tpu.memref_slice %arg3[%add3A_55, %dma_start3A_58] : memref<8192x4096xf32, #tpu.memory_space<hbm>> -> memref<4x4096xf32, #tpu.memory_space<hbm>>
      tpu.enqueue_dma source(%arg5 : memref<4x4096xf32, #tpu.memory_space<vmem>>) target(%dma_start3A_59 : memref<4x4096xf32, #tpu.memory_space<hbm>>) target_semaphore(%arg13 : memref<!tpu.dma_semaphore, #tpu.memory_space<semaphore_mem>>)
      %mul3A_60 = arith.constant 4 : i32
      %mul3A_61 = arith.muli %scan3A_31, %mul3A_60 : i32
      %add3A_62 = arith.constant 2 : i32
      %add3A_63 = arith.addi %mul3A_61, %add3A_62 : i32
      %ge3A_64 = arith.constant 4 : i32
      %ge3A_65 = arith.cmpi sge, %add3A_63, %ge3A_64 : i32
      %convert_element_type3A_66 = arith.extui %ge3A_65 : i1 to i32
      %cond3A_67 = arith.constant 0 : i32
      %cond3A_68 = arith.cmpi ne, %convert_element_type3A_66, %cond3A_67 : i32
      scf.if %cond3A_68 {
        %sub3A = arith.constant 4 : i32
        %sub3A_92 = arith.subi %add3A_63, %sub3A : i32
        %mul3A_93 = arith.constant 4 : i32
        %mul3A_94 = arith.muli %sub3A_92, %mul3A_93 : i32
        %add3A_95 = arith.addi %mul3A_2, %mul3A_94 : i32
        %dma_wait3A_96 = arith.constant 0 : i32
        %dma_wait3A_97 = tpu.memref_slice %arg3[%add3A_95, %dma_wait3A_96] : memref<8192x4096xf32, #tpu.memory_space<hbm>> -> memref<4x4096xf32, #tpu.memory_space<hbm>>
        %dma_wait3A_98 = arith.constant 0 : i32
        %dma_wait3A_99 = tpu.memref_slice %arg3[%add3A_95, %dma_wait3A_98] : memref<8192x4096xf32, #tpu.memory_space<hbm>> -> memref<4x4096xf32, #tpu.memory_space<hbm>>
        tpu.wait_dma2 semaphore(%arg14 : memref<!tpu.dma_semaphore, #tpu.memory_space<semaphore_mem>>) src(%arg6 : memref<4x4096xf32, #tpu.memory_space<vmem>>) dst(%dma_wait3A_99 : memref<4x4096xf32, #tpu.memory_space<hbm>>)
      } else {
      }
      %mul3A_69 = arith.constant 4 : i32
      %mul3A_70 = arith.muli %add3A_63, %mul3A_69 : i32
      %add3A_71 = arith.addi %mul3A_2, %mul3A_70 : i32
      %dma_start3A_72 = arith.constant 0 : i32
      %dma_start3A_73 = tpu.memref_slice %arg3[%add3A_71, %dma_start3A_72] : memref<8192x4096xf32, #tpu.memory_space<hbm>> -> memref<4x4096xf32, #tpu.memory_space<hbm>>
      %dma_start3A_74 = arith.constant 0 : i32
      %dma_start3A_75 = tpu.memref_slice %arg3[%add3A_71, %dma_start3A_74] : memref<8192x4096xf32, #tpu.memory_space<hbm>> -> memref<4x4096xf32, #tpu.memory_space<hbm>>
      tpu.enqueue_dma source(%arg6 : memref<4x4096xf32, #tpu.memory_space<vmem>>) target(%dma_start3A_75 : memref<4x4096xf32, #tpu.memory_space<hbm>>) target_semaphore(%arg14 : memref<!tpu.dma_semaphore, #tpu.memory_space<semaphore_mem>>)
      %mul3A_76 = arith.constant 4 : i32
      %mul3A_77 = arith.muli %scan3A_31, %mul3A_76 : i32
      %add3A_78 = arith.constant 3 : i32
      %add3A_79 = arith.addi %mul3A_77, %add3A_78 : i32
      %ge3A_80 = arith.constant 4 : i32
      %ge3A_81 = arith.cmpi sge, %add3A_79, %ge3A_80 : i32
      %convert_element_type3A_82 = arith.extui %ge3A_81 : i1 to i32
      %cond3A_83 = arith.constant 0 : i32
      %cond3A_84 = arith.cmpi ne, %convert_element_type3A_82, %cond3A_83 : i32
      scf.if %cond3A_84 {
        %sub3A = arith.constant 4 : i32
        %sub3A_92 = arith.subi %add3A_79, %sub3A : i32
        %mul3A_93 = arith.constant 4 : i32
        %mul3A_94 = arith.muli %sub3A_92, %mul3A_93 : i32
        %add3A_95 = arith.addi %mul3A_2, %mul3A_94 : i32
        %dma_wait3A_96 = arith.constant 0 : i32
        %dma_wait3A_97 = tpu.memref_slice %arg3[%add3A_95, %dma_wait3A_96] : memref<8192x4096xf32, #tpu.memory_space<hbm>> -> memref<4x4096xf32, #tpu.memory_space<hbm>>
        %dma_wait3A_98 = arith.constant 0 : i32
        %dma_wait3A_99 = tpu.memref_slice %arg3[%add3A_95, %dma_wait3A_98] : memref<8192x4096xf32, #tpu.memory_space<hbm>> -> memref<4x4096xf32, #tpu.memory_space<hbm>>
        tpu.wait_dma2 semaphore(%arg15 : memref<!tpu.dma_semaphore, #tpu.memory_space<semaphore_mem>>) src(%arg7 : memref<4x4096xf32, #tpu.memory_space<vmem>>) dst(%dma_wait3A_99 : memref<4x4096xf32, #tpu.memory_space<hbm>>)
      } else {
      }
      %mul3A_85 = arith.constant 4 : i32
      %mul3A_86 = arith.muli %add3A_79, %mul3A_85 : i32
      %add3A_87 = arith.addi %mul3A_2, %mul3A_86 : i32
      %dma_start3A_88 = arith.constant 0 : i32
      %dma_start3A_89 = tpu.memref_slice %arg3[%add3A_87, %dma_start3A_88] : memref<8192x4096xf32, #tpu.memory_space<hbm>> -> memref<4x4096xf32, #tpu.memory_space<hbm>>
      %dma_start3A_90 = arith.constant 0 : i32
      %dma_start3A_91 = tpu.memref_slice %arg3[%add3A_87, %dma_start3A_90] : memref<8192x4096xf32, #tpu.memory_space<hbm>> -> memref<4x4096xf32, #tpu.memory_space<hbm>>
      tpu.enqueue_dma source(%arg7 : memref<4x4096xf32, #tpu.memory_space<vmem>>) target(%dma_start3A_91 : memref<4x4096xf32, #tpu.memory_space<hbm>>) target_semaphore(%arg15 : memref<!tpu.dma_semaphore, #tpu.memory_space<semaphore_mem>>)
    }
    %scan3A_7 = arith.constant 16 : i32
    %add3A_8 = arith.constant 240 : i32
    %add3A_9 = arith.addi %mul3A_2, %add3A_8 : i32
    %dma_wait3A = arith.constant 0 : i32
    %dma_wait3A_10 = tpu.memref_slice %arg3[%add3A_9, %dma_wait3A] : memref<8192x4096xf32, #tpu.memory_space<hbm>> -> memref<4x4096xf32, #tpu.memory_space<hbm>>
    %dma_wait3A_11 = arith.constant 0 : i32
    %dma_wait3A_12 = tpu.memref_slice %arg3[%add3A_9, %dma_wait3A_11] : memref<8192x4096xf32, #tpu.memory_space<hbm>> -> memref<4x4096xf32, #tpu.memory_space<hbm>>
    tpu.wait_dma2 semaphore(%arg12 : memref<!tpu.dma_semaphore, #tpu.memory_space<semaphore_mem>>) src(%arg4 : memref<4x4096xf32, #tpu.memory_space<vmem>>) dst(%dma_wait3A_12 : memref<4x4096xf32, #tpu.memory_space<hbm>>)
    %add3A_13 = arith.constant 244 : i32
    %add3A_14 = arith.addi %mul3A_2, %add3A_13 : i32
    %dma_wait3A_15 = arith.constant 0 : i32
    %dma_wait3A_16 = tpu.memref_slice %arg3[%add3A_14, %dma_wait3A_15] : memref<8192x4096xf32, #tpu.memory_space<hbm>> -> memref<4x4096xf32, #tpu.memory_space<hbm>>
    %dma_wait3A_17 = arith.constant 0 : i32
    %dma_wait3A_18 = tpu.memref_slice %arg3[%add3A_14, %dma_wait3A_17] : memref<8192x4096xf32, #tpu.memory_space<hbm>> -> memref<4x4096xf32, #tpu.memory_space<hbm>>
    tpu.wait_dma2 semaphore(%arg13 : memref<!tpu.dma_semaphore, #tpu.memory_space<semaphore_mem>>) src(%arg5 : memref<4x4096xf32, #tpu.memory_space<vmem>>) dst(%dma_wait3A_18 : memref<4x4096xf32, #tpu.memory_space<hbm>>)
    %add3A_19 = arith.constant 248 : i32
    %add3A_20 = arith.addi %mul3A_2, %add3A_19 : i32
    %dma_wait3A_21 = arith.constant 0 : i32
    %dma_wait3A_22 = tpu.memref_slice %arg3[%add3A_20, %dma_wait3A_21] : memref<8192x4096xf32, #tpu.memory_space<hbm>> -> memref<4x4096xf32, #tpu.memory_space<hbm>>
    %dma_wait3A_23 = arith.constant 0 : i32
    %dma_wait3A_24 = tpu.memref_slice %arg3[%add3A_20, %dma_wait3A_23] : memref<8192x4096xf32, #tpu.memory_space<hbm>> -> memref<4x4096xf32, #tpu.memory_space<hbm>>
    tpu.wait_dma2 semaphore(%arg14 : memref<!tpu.dma_semaphore, #tpu.memory_space<semaphore_mem>>) src(%arg6 : memref<4x4096xf32, #tpu.memory_space<vmem>>) dst(%dma_wait3A_24 : memref<4x4096xf32, #tpu.memory_space<hbm>>)
    %add3A_25 = arith.constant 252 : i32
    %add3A_26 = arith.addi %mul3A_2, %add3A_25 : i32
    %dma_wait3A_27 = arith.constant 0 : i32
    %dma_wait3A_28 = tpu.memref_slice %arg3[%add3A_26, %dma_wait3A_27] : memref<8192x4096xf32, #tpu.memory_space<hbm>> -> memref<4x4096xf32, #tpu.memory_space<hbm>>
    %dma_wait3A_29 = arith.constant 0 : i32
    %dma_wait3A_30 = tpu.memref_slice %arg3[%add3A_26, %dma_wait3A_29] : memref<8192x4096xf32, #tpu.memory_space<hbm>> -> memref<4x4096xf32, #tpu.memory_space<hbm>>
    tpu.wait_dma2 semaphore(%arg15 : memref<!tpu.dma_semaphore, #tpu.memory_space<semaphore_mem>>) src(%arg7 : memref<4x4096xf32, #tpu.memory_space<vmem>>) dst(%dma_wait3A_30 : memref<4x4096xf32, #tpu.memory_space<hbm>>)
    return
  }
}

</mosaic_0001>

<sc_bundles>
// kernel: kernel.3.cloned.1.call-start
scs
__scs_entry_jumppad:
0x0: {  	(pc) =	sbr.rel $0x88, $3  }
0x1: {  	(tag) =	ssettag $0x0;
	lr =	simm.s32 $0x1  }
0x2: {  	[smem:$0x3FA0] =	sst lr;
	_ =	strace $0xD0000000  }
0x3: {  	_ = 	snop  }
0x4: {  	_ = 	snop  }
0x5: {  	_ = 	snop  }
0x6: {  	_ = 	snop  }
0x7: {  	_ = 	snop  }
__scs_overlays_trampoline_lowered:
0x8: {  	[smem:$0x3FAF] =	sst s0  }
0x9: {  	[smem:$0x3FB0] =	sst s1  }
0xa: {  	[smem:$0x3FB1] =	sst s2  }
0xb: {  	[smem:$0x3FB2] =	sst s3  }
0xc: {  	[smem:$0x3FB3] =	sst s4  }
0xd: {  	[smem:$0x3FB4] =	sst s5  }
0xe: {  	[smem:$0x3FB5] =	sst s6  }
0xf: {  	[smem:$0x3FB6] =	sst s7  }
0x10: {  	[smem:$0x3FB7] =	sst s8  }
0x11: {  	[smem:$0x3FB8] =	sst s9;
	s0 =	simm.s32 @!p0 $0x0  }
0x12: {  	s1 =	sld [smem:$0x3F9E];
	s0 =	simm.s32 @p0 $0x1  }
0x13: {  	[smem:$0x3FB9] =	sst s0;
	s0 =	simm.s32 @!p1 $0x0  }
0x14: {  	s2 =	sld [smem:$0x3F9D];
	s0 =	simm.s32 @p1 $0x1  }
0x15: {  	[smem:$0x3FBA] =	sst s0;
	s0 =	simm.s32 @!p2 $0x0  }
0x16: {  	s3 =	sld [smem:$0x3FDB];
	s0 =	simm.s32 @p2 $0x1  }
0x17: {  	s4 =	simm.s32 $0x1BF5;
	[smem:$0x3FBC] =	sst s0  }
0x18: {  	s0 =	sld [smem:$0x3F9F];
	_ =	swait.ge [sflag:s4], $0x0  }
0x19: {  	s7 =	sld [smem:$0x3FA0]  }
0x1a: {  	s8 =	sadd.s32 $0xFFFFE003, lr  }
0x1b: {  	s9 =	sadd.s32 $0xFFFFFEF7, lr;
	s5 =	simm.s32 $0xFFFFFFFF;
	p2 =	slt.u32 s8, $0xFFFFF086  }
0x1c: {  	p1 =	slt.u32 s9, $0xF7A;
	s5 =	simm.s32 @!p2 $0x0  }
0x1d: {  	s5 =	simm.s32 @p1 $0x1;
	p0 =	seq.s32 s7, s2  }
0x1e: {  	s7 =	smul.u32 @!p0 $0xF7A, s2;
	p2 =	seq.s32 @!p0 s5, $0x0  }
0x1f: {  	s9 =	smul.u32 $0xF7A, s1;
	s8 =	simm.s32 @!p0 $0x1BF5;
	p2 =	por !p2, p0  }
0x20: {  	[sflag:s8] =	ssyncset.s32 @!p0 $0xFFFFF086;
	s6 =	sadd.s32 @!p0 s3, s7;
	s7 =	simm.s32 @!p0 $0x108  }
0x21: {  	s3 =	sadd.s32 s3, s9;
	s6 =	sadd.s32 @!p0 $0x88, s6;
	s7 =	simm.s32 @p2 $0x1082  }
0x22: {  	[simem:s7], [sflag:s8] =	dma.local @!p0 [hbm:s6], $0xF7A  }
0x23: {  	s9 =	sor.u32 $0xD0000000, s2;
	s6 =	simm.s32 $0x108;
	_ =	swait.ge @!p0 [sflag:s8], $0x0  }
0x24: {  	s3 =	sadd.s32 $0x88, s3;
	s6 =	simm.s32 @!p1 $0x1082;
	[sflag:s4] =	ssyncset.s32 $0xFFFFF086  }
0x25: {  	[simem:s6], [sflag:s4] =	dma.local [hbm:s3], $0xF7A  }
0x26: {  	[smem:$0x3FA0] =	sst s1;
	(tag) =	ssettag s2;
	_ =	strace s9  }
0x27: {  	s1 =	sld [smem:$0x3FB0]  }
0x28: {  	s2 =	sld [smem:$0x3FB1]  }
0x29: {  	s4 =	sld [smem:$0x3FB3]  }
0x2a: {  	p0 =	seq.s32 s5, $0x0;
	s5 =	sld [smem:$0x3FB4]  }
0x2b: {  	s6 =	sld [smem:$0x3FB5]  }
0x2c: {  	s7 =	sld [smem:$0x3FB6]  }
0x2d: {  	s3 =	simm.s32 $0x108;
	s8 =	sld [smem:$0x3FB7]  }
0x2e: {  	s3 =	simm.s32 @!p0 $0x1082;
	s9 =	sld [smem:$0x3FB8]  }
0x2f: {  	lr =	sadd.s32 s0, s3;
	s0 =	sld [smem:$0x3FAF]  }
0x30: {  	s3 =	sld [smem:$0x3FB2]  }
0x31: {  	[smem:$0x3FBB] =	sst s10  }
0x32: {  	s10 =	sld [smem:$0x3FB9];
	_ =	sdelay $0x3  }
0x33: {  	p0 =	seq.s32 s10, $0x1;
	s10 =	sld [smem:$0x3FBB];
	_ =	sdelay $0x3  }
0x34: {  	[smem:$0x3FBB] =	sst s10  }
0x35: {  	s10 =	sld [smem:$0x3FBA];
	_ =	sdelay $0x3  }
0x36: {  	p1 =	seq.s32 s10, $0x1;
	s10 =	sld [smem:$0x3FBB];
	_ =	sdelay $0x3  }
0x37: {  	[smem:$0x3FBB] =	sst s10  }
0x38: {  	s10 =	sld [smem:$0x3FBC]  }
0x39: {  	_ = 	snop;
	(pc) =	sbr.ind lr, $3  }
0x3a: {  	_ = 	snop  }
0x3b: {  	_ = 	snop  }
0x3c: {  	p2 =	seq.s32 s10, $0x1;
	s10 =	sld [smem:$0x3FBB]  }
0x3d: {  	_ =	shalt  }
0x3e: {  	_ =	shalt  }
0x3f: {  	_ =	shalt  }
0x40: {  	_ =	shalt  }
0x41: {  	_ =	shalt  }
0x42: {  	_ =	shalt  }
0x43: {  	_ =	shalt  }
0x44: {  	_ =	shalt  }
0x45: {  	_ =	shalt  }
0x46: {  	_ =	shalt  }
0x47: {  	_ =	shalt  }
0x48: {  	_ =	shalt  }
0x49: {  	_ =	shalt  }
0x4a: {  	_ =	shalt  }
0x4b: {  	_ =	shalt  }
0x4c: {  	_ =	shalt  }
0x4d: {  	_ =	shalt  }
0x4e: {  	_ =	shalt  }
0x4f: {  	_ =	shalt  }
0x50: {  	_ =	shalt  }
0x51: {  	_ =	shalt  }
0x52: {  	_ =	shalt  }
0x53: {  	_ =	shalt  }
0x54: {  	_ =	shalt  }
0x55: {  	_ =	shalt  }
0x56: {  	_ =	shalt  }
0x57: {  	_ =	shalt  }
0x58: {  	_ =	shalt  }
0x59: {  	_ =	shalt  }
0x5a: {  	_ =	shalt  }
0x5b: {  	_ =	shalt  }
0x5c: {  	_ =	shalt  }
0x5d: {  	_ =	shalt  }
0x5e: {  	_ =	shalt  }
0x5f: {  	_ =	shalt  }
0x60: {  	_ =	shalt  }
0x61: {  	_ =	shalt  }
0x62: {  	_ =	shalt  }
0x63: {  	_ =	shalt  }
0x64: {  	_ =	shalt  }
0x65: {  	_ =	shalt  }
0x66: {  	_ =	shalt  }
0x67: {  	_ =	shalt  }
0x68: {  	_ =	shalt  }
0x69: {  	_ =	shalt  }
0x6a: {  	_ =	shalt  }
0x6b: {  	_ =	shalt  }
0x6c: {  	_ =	shalt  }
0x6d: {  	_ =	shalt  }
0x6e: {  	_ =	shalt  }
0x6f: {  	_ =	shalt  }
0x70: {  	_ =	shalt  }
0x71: {  	_ =	shalt  }
0x72: {  	_ =	shalt  }
0x73: {  	_ =	shalt  }
0x74: {  	_ =	shalt  }
0x75: {  	_ =	shalt  }
0x76: {  	_ =	shalt  }
0x77: {  	_ =	shalt  }
0x78: {  	_ =	shalt  }
0x79: {  	_ =	shalt  }
0x7a: {  	_ =	shalt  }
0x7b: {  	_ =	shalt  }
0x7c: {  	_ =	shalt  }
0x7d: {  	_ =	shalt  }
0x7e: {  	_ =	shalt  }
0x7f: {  	_ =	shalt  }
0x80: {  	_ =	shalt  }
0x81: {  	_ =	shalt  }
0x82: {  	_ =	shalt  }
0x83: {  	_ =	shalt  }
0x84: {  	_ =	shalt  }
0x85: {  	_ =	shalt  }
0x86: {  	_ =	shalt  }
0x87: {  	_ =	shalt  }
.Lfunc_end0:
.L_simem_size_0:
called_computation_lowered:
.L_overlay_start_0:
0x88: {  	s2 =	sld [smem:$0x3FD9]  }
0x89: {  	s3 =	sld [smem:$0x3FFE];
	_ =	sdelay $0x1  }
0x8a: {  	s1 =	srdreg.scid  }
0x8b: {  	s0 =	sand.u32 $0x1, s1  }
0x8c: {  	s18 =	sshll.u32 s0, $0xA;
	s2 =	sadd.s32 s3, s2  }
0x8d: {  	s2 =	sadd.s32 s2, s18  }
0x8e: {  	[smem:$0x3FC7] =	sst s2  }
0x8f: {  	_ = 	snop  }
0x90: {  	s2 =	sld [smem:$0x3FD0];
	(tm) =	ssettm $0x1  }
0x91: {  	s19 =	sld [smem:$0x3FFB];
	_ =	sdelay $0x3  }
0x92: {  	_ =	strace s19  }
0x93: {  	s3 =	sld [smem:$0x3FFC];
	_ =	sdelay $0x3  }
0x94: {  	_ =	strace s3  }
0x95: {  	s3 =	sld [smem:$0x3FFD];
	_ =	sdelay $0x3  }
0x96: {  	_ =	strace s3  }
0x97: {  	_ =	strace $0x8FFFFFFF  }
0x98: {  	s20 =	sld [smem:$0x3FDB];
	_ =	sdelay $0x1  }
0x99: {  	s4 =	simm.s32 $_scs_section_size  }
0x9a: {  	s5 =	simm.s32 $_size__tile_overlayer_lowered;
	s6 =	simm.s32 $_tile_overlayer_lowered  }
0x9b: {  	s23 =	simm.s32 $0x1BFF;
	s22 =	sshll.u32 s6, $0x1;
	s3 =	sadd.s32 s4, s20  }
0x9c: {  	s7 =	simm.s32 $0x0;
	s21 =	sshll.u32 s5, $0x1;
	s5 =	sadd.s32 s22, s3  }
0x9d: {  	[timem:s7], [sflag:s23] =	dma.local [hbm:s5], s21  }
0x9e: {  	_ =	swait.ge [sflag:s23], s21  }
0x9f: {  	s4 =	ssub.s32 $0x0, s21;
	[sflag:s23] =	ssyncset.done $0x0  }
0xa0: {  	[sflag:s23] =	ssyncadd.s32 s4;
	_ =	sdelay $0x1  }
0xa1: {  	s24 =	simm.s32 $0x1B8B  }
0xa2: {  	_ =	swait.ge [sflag:s24], $0x1  }
0xa3: {  	[sflag:s24] =	ssyncset.done $0x0  }
0xa4: {  	s25 =	simm.s32 $0x1B8E;
	[sflag:s24] =	ssyncadd.s32 $0xFFFFFFFF  }
0xa5: {  	s26 =	simm.s32 $execute0_lowered;
	[smem:$0x3FD2] =	sst s25  }
0xa6: {  	s4 =	sshll.u32 s26, $0x1;
	_ =	strace $0x80000046;
	[dreg:$0x1] =	wrdreg $0xFFFFFFFF  }
0xa7: {  	s28 =	simm.s32 $_size_execute0_lowered;
	s3 =	sadd.s32 s3, s4;
	[dreg:$0x0] =	wrdreg $0x0  }
0xa8: {  	s4 =	sshll.u32 s28, $0x1;
	[dreg:$0x2] =	wrdreg s3  }
0xa9: {  	[dreg:$0x3] =	wrdreg s4  }
0xaa: {  	[dreg:$0x4] =	wrdreg $0xC0  }
0xab: {  	_ =	task [dreg:s7], $0x5FFFF  }
0xac: {  	[dreg:$0x1] =	wrdreg $0xFFFFFFFF  }
0xad: {  	[dreg:$0x0] =	wrdreg $0x60  }
0xae: {  	[dreg:$0x2] =	wrdreg s2  }
0xaf: {  	[dreg:$0x3] =	wrdreg $0x9  }
0xb0: {  	_ =	task.clear_ibuf [dreg:s7], $0x4FFFF;
	_ =	strace $0x90000046  }
0xb1: {  	s29 =	simm.s32 $0x9;
	_ =	strace $0x80000048  }
0xb2: {  	_ =	swait.ge [sflag:s29], $0x1  }
0xb3: {  	[sflag:s29] =	ssyncadd.s32 $0xFFFFFFFF  }
0xb4: {  	_ =	strace $0x90000048  }
0xb5: {  	_ =	sfence  }
0xb6: {  	s30 =	sld [smem:$0x0];
	_ =	sdelay $0x2  }
0xb7: {  	s31 =	sshll.u32 s1, $0xD;
	s1 =	sshrl.u32 s1, $0x2  }
0xb8: {  	s3 =	sand.u32 $0x4000, s31;
	s1 =	sadd.s32 s1, s30  }
0xb9: {  	s0 =	sor.u32 s3, s0;
	s1 =	sshll.u32 s1, $0x11  }
0xba: {  	s0 =	sor.u32 s1, s0  }
0xbb: {  	s0 =	sadd.s32 $0x8F2B, s0  }
0xbc: {  	[sflag:s0] =	ssyncadd.remote.s32 $0x1  }
0xbd: {  	_ =	sfence.sel $0xFFFF  }
0xbe: {  	[dreg:$0x0] =	wrdreg $0xFFFFFFFF;
	(pc) =	sbr.abs _section_cstart, $3  }
0xbf: {  	[dreg:$0x1] =	wrdreg $0xFFFFFFFF  }
0xc0: {  	_ =	task.clear_ibuf [dreg:s7], $0x2FFFF;
	_ =	strace $0x9FFFFFFF  }
0xc1: {  	(tm) =	ssettm $0x7FFFFFFF  }
tec
execute0_lowered:
.L_overlay_start_1:
0x0: {  	(tag) =	ssettag $0x1  }
0x1: {  	s0 =	srdreg.scid  }
0x2: {  	s7 =	rddreg [dreg:$0x0];
	s1 =	stileid.u32;
	s2 =	simm.s32 $0x0  }
0x3: {  	s10 =	simm.s32 $0x400;
	s11 =	simm.s32 $0x4000;
	s12 =	simm.s32 $0x8000  }
0x4: {  	s13 =	simm.s32 $0xC000;
	s14 =	simm.s32 $0x1;
	s15 =	simm.s32 $0x2  }
0x5: {  	s16 =	simm.s32 $0x3;
	s17 =	simm.s32 $0x4;
	s18 =	simm.s32 $0x0  }
0x6: {  	s3 =	sand.u32 $0x1, s0;
	s0 =	rddreg [dreg:$0x1];
	s8 =	sshll.u32 s1, $0x12  }
0x7: {  	[smem:$0x7FF] =	sst s2;
	s9 =	sshll.u32 s3, $0x11;
	s4 =	ssub.s32 $0x2, s3  }
0x8: {  	_ =	strace $0x80000047;
	s31 =	sor.u32 s9, s8;
	s5 =	sshrl.u32 s4, $0x1  }
0x9: {  	s8 =	sadd.s32 s8, s7;
	s3 =	sadd.s32 s7, s31;
	s5 =	ssub.s32 s4, s5  }
0xa: {  	s8 =	sadd.s32 s9, s8;
	s9 =	simm.s32 $0x200;
	s4 =	sadd.s32 $0x40, s3  }
0xb: {  	s5 =	smax.u32 s5, $0x1;
	s6 =	sadd.s32 $0x1000, s3;
	s7 =	sadd.s32 $0x1040, s3  }
.LBB2_1:
0xc: {  	[hbm4b:s3+s9] =	stream.strided.scatter [tilespmem:s2], [sflag:$0x1], $0x4000, s10, s9, $0x38;
	[tilespmem:$0x10000] =	vst v63  }
0xd: {  	_ = 	snop  }
0xe: {  	[hbm4b:s4+s9] =	stream.strided.scatter [tilespmem:s11], [sflag:$0x2], $0x4000, s10, s9, $0x38;
	[tilespmem:$0x10000] =	vst v63  }
0xf: {  	_ = 	snop  }
0x10: {  	[hbm4b:s6+s9] =	stream.strided.scatter [tilespmem:s12], [sflag:$0x3], $0x4000, s10, s9, $0x38;
	[tilespmem:$0x10000] =	vst v63  }
0x11: {  	_ = 	snop  }
0x12: {  	[hbm4b:s7+s9] =	stream.strided.scatter [tilespmem:s13], [sflag:$0x4], $0x4000, s10, s9, $0x38;
	[tilespmem:$0x10000] =	vst v63  }
0x13: {  	_ =	swait.ge [sflag:s14], $0x4000  }
0x14: {  	s20 =	sadd.s32 $0x0, s8;
	[sflag:s14] =	ssyncset.done $0x0  }
0x15: {  	s19 =	sadd.s32 $0x2000, s20;
	[sflag:s14] =	ssyncadd.s32 $0xFFFFC000  }
0x16: {  	[hbm4b:s19+s9] =	stream.strided.scatter [tilespmem:s2], [sflag:$0x1], $0x4000, s10, s9, $0x38;
	[tilespmem:$0x10000] =	vst v63  }
0x17: {  	_ =	swait.ge [sflag:s15], $0x4000  }
0x18: {  	[sflag:s15] =	ssyncset.done $0x0  }
0x19: {  	s30 =	sadd.s32 $0x2040, s20;
	[sflag:s15] =	ssyncadd.s32 $0xFFFFC000  }
0x1a: {  	[hbm4b:s30+s9] =	stream.strided.scatter [tilespmem:s11], [sflag:$0x2], $0x4000, s10, s9, $0x38;
	[tilespmem:$0x10000] =	vst v63  }
0x1b: {  	_ =	swait.ge [sflag:s16], $0x4000  }
0x1c: {  	[sflag:s16] =	ssyncset.done $0x0  }
0x1d: {  	s31 =	sadd.s32 $0x3000, s20;
	[sflag:s16] =	ssyncadd.s32 $0xFFFFC000  }
0x1e: {  	[hbm4b:s31+s9] =	stream.strided.scatter [tilespmem:s12], [sflag:$0x3], $0x4000, s10, s9, $0x38;
	[tilespmem:$0x10000] =	vst v63  }
0x1f: {  	_ =	swait.ge [sflag:s17], $0x4000  }
0x20: {  	[sflag:s17] =	ssyncset.done $0x0  }
0x21: {  	s20 =	sadd.s32 $0x3040, s20;
	s19 =	simm.s32 $0x2000;
	[sflag:s17] =	ssyncadd.s32 $0xFFFFC000  }
.LBB2_2:
0x22: {  	[hbm4b:s20+s9] =	stream.strided.scatter [tilespmem:s13], [sflag:$0x4], $0x4000, s10, s9, $0x38;
	[tilespmem:$0x10000] =	vst v63  }
0x23: {  	s20 =	smov.u32 s19  }
0x24: {  	p0 =	sne.s32 s19, $0x1C000;
	s19 =	sadd.s32 $0x2000, s19;
	_ =	swait.ge [sflag:s14], $0x4000  }
0x25: {  	s20 =	sadd.s32 s20, s8;
	[sflag:s14] =	ssyncset.done $0x0  }
0x26: {  	s21 =	sadd.s32 $0x2000, s20;
	[sflag:s14] =	ssyncadd.s32 $0xFFFFC000  }
0x27: {  	[hbm4b:s21+s9] =	stream.strided.scatter [tilespmem:s2], [sflag:$0x1], $0x4000, s10, s9, $0x38;
	[tilespmem:$0x10000] =	vst v63  }
0x28: {  	_ =	swait.ge [sflag:s15], $0x4000  }
0x29: {  	[sflag:s15] =	ssyncset.done $0x0  }
0x2a: {  	s21 =	sadd.s32 $0x2040, s20;
	[sflag:s15] =	ssyncadd.s32 $0xFFFFC000  }
0x2b: {  	[hbm4b:s21+s9] =	stream.strided.scatter [tilespmem:s11], [sflag:$0x2], $0x4000, s10, s9, $0x38;
	[tilespmem:$0x10000] =	vst v63  }
0x2c: {  	_ =	swait.ge [sflag:s16], $0x4000  }
0x2d: {  	[sflag:s16] =	ssyncset.done $0x0  }
.Ltmp0:
0x2e: {  	s21 =	sadd.s32 $0x3000, s20;
	[sflag:s16] =	ssyncadd.s32 $0xFFFFC000;
	(pc) =	sbr.rel @p0 .LBB2_2-.Ltmp0, $4  }
0x2f: {  	[hbm4b:s21+s9] =	stream.strided.scatter [tilespmem:s12], [sflag:$0x3], $0x4000, s10, s9, $0x38;
	[tilespmem:$0x10000] =	vst v63  }
0x30: {  	_ =	swait.ge [sflag:s17], $0x4000  }
0x31: {  	[sflag:s17] =	ssyncset.done $0x0  }
0x32: {  	s20 =	sadd.s32 $0x3040, s20;
	[sflag:s17] =	ssyncadd.s32 $0xFFFFC000  }
0x33: {  	[hbm4b:s20+s9] =	stream.strided.scatter [tilespmem:s13], [sflag:$0x4], $0x4000, s10, s9, $0x38;
	[tilespmem:$0x10000] =	vst v63  }
0x34: {  	_ =	swait.ge [sflag:s14], $0x4000  }
0x35: {  	[sflag:s14] =	ssyncset.done $0x0  }
0x36: {  	[sflag:s14] =	ssyncadd.s32 $0xFFFFC000  }
0x37: {  	_ =	swait.ge [sflag:s15], $0x4000  }
0x38: {  	[sflag:s15] =	ssyncset.done $0x0  }
0x39: {  	s18 =	sadd.s32 $0x1, s18;
	[sflag:s15] =	ssyncadd.s32 $0xFFFFC000  }
0x3a: {  	p0 =	sne.s32 s18, s5;
	_ =	swait.ge [sflag:s16], $0x4000  }
.Ltmp1:
0x3b: {  	[sflag:s16] =	ssyncset.done $0x0;
	(pc) =	sbr.rel @p0 .LBB2_1-.Ltmp1, $4  }
0x3c: {  	[sflag:s16] =	ssyncadd.s32 $0xFFFFC000  }
0x3d: {  	_ =	swait.ge [sflag:s17], $0x4000  }
0x3e: {  	[sflag:s17] =	ssyncset.done $0x0  }
0x3f: {  	[sflag:s17] =	ssyncadd.s32 $0xFFFFC000  }
0x40: {  	_ =	sfence.sel $0x180000  }
0x41: {  	[bflag:$0x0] =	sbarrier.arrive $0xFFFF  }
0x42: {  	p0 =	sne.s32 s1, $0x0;
	_ =	strace $0x90000047  }
0x43: {  	s0 =	sadd.s32 @!p0 $0x100000, s0;
	[bflag:$0x2] =	sbarrier.arrive $0xFFFF  }
0x44: {  	[sflag:s0] =	ssyncadd.tile.s32 @!p0 $0x1;
	_ =	shalt  }
.Lfunc_end2:
_tile_overlayer_lowered:
.L_overlay_start_2:
0x45: {  	(tag) =	ssettag $0x2  }
0x46: {  	s0 =	rddreg [dreg:$0x0];
	s2 =	stileid.u32  }
0x47: {  	s1 =	rddreg [dreg:$0x1];
	p0 =	sne.s32 s2, $0x0  }
0x48: {  	s3 =	rddreg [dreg:$0x2];
	[bflag:$0x3] =	sbarrier.arrive $0xFFFF;
	s2 =	simm.s32 @!p0 $0x1C05  }
0x49: {  	[timem:s3], [sflag:s2] =	dma.local @!p0 [hbm:s0], s1  }
0x4a: {  	s0 =	simm.s32 @!p0 $0x5  }
0x4b: {  	_ =	swait.ge @!p0 [sflag:s0], s1  }
0x4c: {  	s1 =	ssub.s32 @!p0 $0x0, s1;
	[sflag:s0] =	ssyncset.done @!p0 $0x0  }
0x4d: {  	[sflag:s0] =	ssyncadd.s32 @!p0 s1  }
0x4e: {  	[bflag:$0x3] =	sbarrier.arrive $0xFFFF  }
0x4f: {  	_ =	shalt  }

</sc_bundles>
